<compile_context>
chip_gen: v7x
topology: tpu7x:2x2x1
jax: 0.10.2.dev20260603
libtpu: 0.0.44.dev20260713+nightly
codegen_flags: <defaults>
</compile_context>

<pallas_src>
import dataclasses

import jax
import jax.numpy as jnp
from jax import lax
from jax.experimental import pallas as pl
from jax.experimental.pallas import tpu as pltpu
from jax.experimental.pallas import tpu_sc as plsc

_B, _C, _H, _W = 8, 3, 512, 512
_K = 256
_N = _B * _C * _H * _W
_NLUT = _B * _C * _K
_NW = 32
_ROWS = 32
_BLOCK = _ROWS * _W
_BLK_PER_PLANE = _H // _ROWS
_NBLK = _N // _BLOCK // _NW
_UNROLL = 8
_MAGIC_F = 8388608.0
_MAGIC_I = 0x4B000000


def _lut_body(img_hbm, lut_hbm, out_hbm, lut_v, in0, in1, out0, out1,
              si0, si1, so0, so1):
    wid = lax.axis_index("s") * 2 + lax.axis_index("c")
    pltpu.sync_copy(lut_hbm, lut_v)
    base = wid * _NBLK

    def in_dma(k, buf, sem):
        return pltpu.make_async_copy(
            img_hbm.at[pl.ds((base + k) * _ROWS, _ROWS)], buf, sem)

    def out_dma(k, buf, sem):
        return pltpu.make_async_copy(
            buf, out_hbm.at[pl.ds((base + k) * _ROWS, _ROWS)], sem)

    def compute(k, in_v, out_v):
        off = ((base + k) // _BLK_PER_PLANE) * _K - _MAGIC_I

        @pl.loop(0, _ROWS)
        def _rows(r):
            @plsc.parallel_loop(0, _W, step=16, unroll=_UNROLL)
            def _vecs(i):
                v = in_v[r, pl.ds(i, 16)]
                rr = v * 255.0 + _MAGIC_F
                idx = plsc.bitcast(rr, jnp.int32) + off
                out_v[r, pl.ds(i, 16)] = plsc.load_gather(lut_v, [idx])

    in_dma(0, in0, si0).start()

    @pl.loop(0, _NBLK, step=2)
    def _blocks(k):
        in_dma(k + 1, in1, si1).start()
        in_dma(k, in0, si0).wait()

        @pl.when(k > 0)
        def _():
            out_dma(k - 2, out0, so0).wait()

        compute(k, in0, out0)
        out_dma(k, out0, so0).start()

        @pl.when(k + 2 < _NBLK)
        def _():
            in_dma(k + 2, in0, si0).start()

        in_dma(k + 1, in1, si1).wait()

        @pl.when(k > 0)
        def _():
            out_dma(k - 1, out1, so1).wait()

        compute(k + 1, in1, out1)
        out_dma(k + 1, out1, so1).start()

    out_dma(_NBLK - 2, out0, so0).wait()
    out_dma(_NBLK - 1, out1, so1).wait()


@jax.jit
def kernel(images, transforms):
    img2d = images.reshape(_B * _C * _H, _W)
    flat_lut = transforms.reshape(_NLUT)
    mesh = plsc.VectorSubcoreMesh(core_axis_name="c", subcore_axis_name="s")
    cp = pltpu.CompilerParams()
    if "needs_layout_passes" in pltpu.CompilerParams.__dataclass_fields__:
        cp = dataclasses.replace(cp, needs_layout_passes=False)
    run = pl.kernel(
        _lut_body,
        out_type=jax.ShapeDtypeStruct((_B * _C * _H, _W), jnp.float32),
        mesh=mesh,
        scratch_types=[
            pltpu.VMEM((_NLUT,), jnp.float32),
            pltpu.VMEM((_ROWS, _W), jnp.float32),
            pltpu.VMEM((_ROWS, _W), jnp.float32),
            pltpu.VMEM((_ROWS, _W), jnp.float32),
            pltpu.VMEM((_ROWS, _W), jnp.float32),
            pltpu.SemaphoreType.DMA,
            pltpu.SemaphoreType.DMA,
            pltpu.SemaphoreType.DMA,
            pltpu.SemaphoreType.DMA,
        ],
        compiler_params=cp,
    )
    return run(img2d, flat_lut).reshape(_B, _C, _H, _W)

# --- scband reference (transcript-rebuilt; emitter-appended) ---
"""Pipeline reference for scband-intensity-transform-1554778161489 (READ-ONLY COPY).

The authoritative reference and input builder live on the scoring server;
editing this copy changes nothing except your own understanding.
"""

import jax, jax.numpy as jnp
import numpy as np

SCALE = 255  # intensities - 1


def setup_inputs(seed: int = 0) -> dict:
    key = jax.random.key(seed)
    k1, k2 = jax.random.split(key)
    images = jax.random.uniform(k1, (8, 3, 512, 512), dtype=jnp.float32)
    transforms = jax.random.uniform(k2, (8, 3, 256), dtype=jnp.float32)
    return {"images": images, "transforms": transforms}


def reference(images, transforms):
    # images: [B, 3, H, W] floats in [0, 1]; transforms: [B, 3, K] per-channel LUT.
    # Torch code: round(scale*images) -> long indices, tile LUT along a new width
    # axis (doubling until >= W), then per-channel torch.gather along dim=2.
    idx = jnp.round(SCALE * images).astype(jnp.int32)  # [B, 3, H, W]
    W = images.shape[3]
    # Equivalent of unsqueeze(3) + repeated concat along dim=3 up to >= W,
    # then gather along dim=2 with index width W (broadcast across width).
    t = jnp.broadcast_to(transforms[:, :, :, None], transforms.shape + (W,))  # [B,3,K,W]
    out = jnp.take_along_axis(t, idx, axis=2)  # [B, 3, H, W]
    return out

if __name__ == "__main__":
    import jax
    _d = setup_inputs()
    print(jax.jit(kernel)(*tuple(_d.values())))

</pallas_src>

<mosaic_0001>
#map = affine_map<(d0, d1) -> (0, 0)>
#map1 = affine_map<(d0, d1) -> (0)>
module attributes {stable_mosaic.version = 14 : i64} {
  func.func @_lut_body(%arg0: i32, %arg1: i32, %arg2: memref<12288x512xf32, #tpu.memory_space<hbm>>, %arg3: memref<6144xf32, #tpu.memory_space<hbm>>, %arg4: memref<12288x512xf32, #tpu.memory_space<hbm>>, %arg5: memref<6144xf32, #tpu.memory_space<vmem>>, %arg6: memref<32x512xf32, #tpu.memory_space<vmem>>, %arg7: memref<32x512xf32, #tpu.memory_space<vmem>>, %arg8: memref<32x512xf32, #tpu.memory_space<vmem>>, %arg9: memref<32x512xf32, #tpu.memory_space<vmem>>, %arg10: memref<!tpu.dma_semaphore, #tpu.memory_space<semaphore_mem>>, %arg11: memref<!tpu.dma_semaphore, #tpu.memory_space<semaphore_mem>>, %arg12: memref<!tpu.dma_semaphore, #tpu.memory_space<semaphore_mem>>, %arg13: memref<!tpu.dma_semaphore, #tpu.memory_space<semaphore_mem>>) attributes {dimension_semantics = [#tpu.dimension_semantics<core_parallel>, #tpu.dimension_semantics<subcore_parallel>], iteration_bounds = array<i64: 2, 16>, scalar_prefetch = 0 : i64, scratch_operands = 9 : i64, tpu.core_type = #tpu.core_type<sc_vector_subcore>, window_params = [{transform_indices = #map}, {transform_indices = #map1}, {transform_indices = #map}]} {
    %mul3A = arith.constant 2 : i32
    %mul3A_0 = arith.muli %arg1, %mul3A : i32
    %add3A = arith.addi %mul3A_0, %arg0 : i32
    "tpu.region"() ({
      %run_scoped3A = tpu.sem_alloc : memref<!tpu.dma_semaphore, #tpu.memory_space<semaphore_mem>>
      tpu.enqueue_dma source(%arg3 : memref<6144xf32, #tpu.memory_space<hbm>>) target(%arg5 : memref<6144xf32, #tpu.memory_space<vmem>>) target_semaphore(%run_scoped3A : memref<!tpu.dma_semaphore, #tpu.memory_space<semaphore_mem>>)
      tpu.wait_dma2 semaphore(%run_scoped3A : memref<!tpu.dma_semaphore, #tpu.memory_space<semaphore_mem>>) src(%arg3 : memref<6144xf32, #tpu.memory_space<hbm>>) dst(%arg5 : memref<6144xf32, #tpu.memory_space<vmem>>)
      tpu.yield
    }) : () -> ()
    %mul3A_1 = arith.constant 12 : i32
    %mul3A_2 = arith.muli %add3A, %mul3A_1 : i32
    %add3A_3 = arith.constant 0 : i32
    %add3A_4 = arith.addi %mul3A_2, %add3A_3 : i32
    %mul3A_5 = arith.constant 32 : i32
    %mul3A_6 = arith.muli %add3A_4, %mul3A_5 : i32
    %dma_start3A = arith.constant 0 : i32
    %dma_start3A_7 = tpu.memref_slice %arg2[%mul3A_6, %dma_start3A] : memref<12288x512xf32, #tpu.memory_space<hbm>> -> memref<32x512xf32, #tpu.memory_space<hbm>>
    %dma_start3A_8 = arith.constant 0 : i32
    %dma_start3A_9 = tpu.memref_slice %arg2[%mul3A_6, %dma_start3A_8] : memref<12288x512xf32, #tpu.memory_space<hbm>> -> memref<32x512xf32, #tpu.memory_space<hbm>>
    tpu.enqueue_dma source(%dma_start3A_9 : memref<32x512xf32, #tpu.memory_space<hbm>>) target(%arg6 : memref<32x512xf32, #tpu.memory_space<vmem>>) target_semaphore(%arg10 : memref<!tpu.dma_semaphore, #tpu.memory_space<semaphore_mem>>)
    %scan3A = arith.constant 0 : i32
    %scan3A_10 = arith.constant 6 : i32
    %scan3A_11 = arith.addi %scan3A, %scan3A_10 : i32
    %scan3A_12 = arith.constant 1 : i32
    scf.for %scan3A_29 = %scan3A to %scan3A_11 step %scan3A_12  : i32 {
      %mul3A_30 = arith.constant 2 : i32
      %mul3A_31 = arith.muli %scan3A_29, %mul3A_30 : i32
      %add3A_32 = arith.constant 0 : i32
      %add3A_33 = arith.addi %add3A_32, %mul3A_31 : i32
      %add3A_34 = arith.constant 1 : i32
      %add3A_35 = arith.addi %add3A_33, %add3A_34 : i32
      %add3A_36 = arith.addi %mul3A_2, %add3A_35 : i32
      %mul3A_37 = arith.constant 32 : i32
      %mul3A_38 = arith.muli %add3A_36, %mul3A_37 : i32
      %dma_start3A_39 = arith.constant 0 : i32
      %dma_start3A_40 = tpu.memref_slice %arg2[%mul3A_38, %dma_start3A_39] : memref<12288x512xf32, #tpu.memory_space<hbm>> -> memref<32x512xf32, #tpu.memory_space<hbm>>
      %dma_start3A_41 = arith.constant 0 : i32
      %dma_start3A_42 = tpu.memref_slice %arg2[%mul3A_38, %dma_start3A_41] : memref<12288x512xf32, #tpu.memory_space<hbm>> -> memref<32x512xf32, #tpu.memory_space<hbm>>
      tpu.enqueue_dma source(%dma_start3A_42 : memref<32x512xf32, #tpu.memory_space<hbm>>) target(%arg7 : memref<32x512xf32, #tpu.memory_space<vmem>>) target_semaphore(%arg11 : memref<!tpu.dma_semaphore, #tpu.memory_space<semaphore_mem>>)
      %add3A_43 = arith.addi %mul3A_2, %add3A_33 : i32
      %mul3A_44 = arith.constant 32 : i32
      %mul3A_45 = arith.muli %add3A_43, %mul3A_44 : i32
      %dma_wait3A_46 = arith.constant 0 : i32
      %dma_wait3A_47 = tpu.memref_slice %arg2[%mul3A_45, %dma_wait3A_46] : memref<12288x512xf32, #tpu.memory_space<hbm>> -> memref<32x512xf32, #tpu.memory_space<hbm>>
      %dma_wait3A_48 = arith.constant 0 : i32
      %dma_wait3A_49 = tpu.memref_slice %arg2[%mul3A_45, %dma_wait3A_48] : memref<12288x512xf32, #tpu.memory_space<hbm>> -> memref<32x512xf32, #tpu.memory_space<hbm>>
      tpu.wait_dma2 semaphore(%arg10 : memref<!tpu.dma_semaphore, #tpu.memory_space<semaphore_mem>>) src(%dma_wait3A_49 : memref<32x512xf32, #tpu.memory_space<hbm>>) dst(%arg6 : memref<32x512xf32, #tpu.memory_space<vmem>>)
      %gt3A = arith.constant 0 : i32
      %gt3A_50 = arith.cmpi sgt, %add3A_33, %gt3A : i32
      %convert_element_type3A = arith.extui %gt3A_50 : i1 to i32
      %cond3A = arith.constant 0 : i32
      %cond3A_51 = arith.cmpi ne, %convert_element_type3A, %cond3A : i32
      scf.if %cond3A_51 {
        %sub3A_150 = arith.constant 2 : i32
        %sub3A_151 = arith.subi %add3A_33, %sub3A_150 : i32
        %add3A_152 = arith.addi %mul3A_2, %sub3A_151 : i32
        %mul3A_153 = arith.constant 32 : i32
        %mul3A_154 = arith.muli %add3A_152, %mul3A_153 : i32
        %dma_wait3A_155 = arith.constant 0 : i32
        %dma_wait3A_156 = tpu.memref_slice %arg4[%mul3A_154, %dma_wait3A_155] : memref<12288x512xf32, #tpu.memory_space<hbm>> -> memref<32x512xf32, #tpu.memory_space<hbm>>
        %dma_wait3A_157 = arith.constant 0 : i32
        %dma_wait3A_158 = tpu.memref_slice %arg4[%mul3A_154, %dma_wait3A_157] : memref<12288x512xf32, #tpu.memory_space<hbm>> -> memref<32x512xf32, #tpu.memory_space<hbm>>
        tpu.wait_dma2 semaphore(%arg12 : memref<!tpu.dma_semaphore, #tpu.memory_space<semaphore_mem>>) src(%arg8 : memref<32x512xf32, #tpu.memory_space<vmem>>) dst(%dma_wait3A_158 : memref<32x512xf32, #tpu.memory_space<hbm>>)
      } else {
      }
      %add3A_52 = arith.addi %mul3A_2, %add3A_33 : i32
      %jit3A = arith.constant 16 : i32
      %div3A = arith.divsi %add3A_52, %jit3A : i32
      %sign3A = arith.constant 0 : i32
      %sign3A_53 = arith.cmpi sgt, %add3A_52, %sign3A : i32
      %sign3A_54 = arith.extui %sign3A_53 : i1 to i32
      %sign3A_55 = arith.constant 0 : i32
      %sign3A_56 = arith.cmpi slt, %add3A_52, %sign3A_55 : i32
      %sign3A_57 = arith.extui %sign3A_56 : i1 to i32
      %sign3A_58 = arith.subi %sign3A_54, %sign3A_57 : i32
      %sign3A_59 = arith.constant 0 : i32
      %sign3A_60 = arith.cmpi sgt, %jit3A, %sign3A_59 : i32
      %sign3A_61 = arith.extui %sign3A_60 : i1 to i32
      %sign3A_62 = arith.constant 0 : i32
      %sign3A_63 = arith.cmpi slt, %jit3A, %sign3A_62 : i32
      %sign3A_64 = arith.extui %sign3A_63 : i1 to i32
      %sign3A_65 = arith.subi %sign3A_61, %sign3A_64 : i32
      %ne3A = arith.cmpi ne, %sign3A_58, %sign3A_65 : i32
      %rem3A = arith.remsi %add3A_52, %jit3A : i32
      %ne3A_66 = arith.constant 0 : i32
      %ne3A_67 = arith.cmpi ne, %rem3A, %ne3A_66 : i32
      %and3A = arith.andi %ne3A, %ne3A_67 : i1
      %sub3A = arith.constant 1 : i32
      %sub3A_68 = arith.subi %div3A, %sub3A : i32
      %select_n3A = arith.select %and3A, %sub3A_68, %div3A : i32
      %mul3A_69 = arith.constant 256 : i32
      %mul3A_70 = arith.muli %select_n3A, %mul3A_69 : i32
      %sub3A_71 = arith.constant 1258291200 : i32
      %sub3A_72 = arith.subi %mul3A_70, %sub3A_71 : i32
      %scan3A_73 = arith.constant 0 : i32
      %scan3A_74 = arith.constant 32 : i32
      %scan3A_75 = arith.addi %scan3A_73, %scan3A_74 : i32
      %scan3A_76 = arith.constant 1 : i32
      scf.for %scan3A_150 = %scan3A_73 to %scan3A_75 step %scan3A_76  : i32 {
        %mul3A_151 = arith.constant 1 : i32
        %mul3A_152 = arith.muli %scan3A_150, %mul3A_151 : i32
        %add3A_153 = arith.constant 0 : i32
        %add3A_154 = arith.addi %add3A_153, %mul3A_152 : i32
        %parallel_loop3A = arith.constant 0 : i32
        %parallel_loop3A_155 = arith.constant 512 : i32
        %parallel_loop3A_156 = arith.constant 16 : i32
        scf.for %parallel_loop3A_157 = %parallel_loop3A to %parallel_loop3A_155 step %parallel_loop3A_156  : i32 {
          %parallel_loop3A_158 = arith.index_cast %add3A_154 : i32 to index
          %parallel_loop3A_159 = arith.index_cast %parallel_loop3A_157 : i32 to index
          %parallel_loop3A_160 = tpu.vector_load %arg6[%parallel_loop3A_158, %parallel_loop3A_159] {strides = array<i32>} : memref<32x512xf32, #tpu.memory_space<vmem>>, vector<16xf32>,
          %parallel_loop3A_161 = arith.constant 2.550000e+02 : f32
          %parallel_loop3A_162 = vector.broadcast %parallel_loop3A_161 : f32 to vector<16xf32>
          %parallel_loop3A_163 = arith.mulf %parallel_loop3A_160, %parallel_loop3A_162 : vector<16xf32>
          %parallel_loop3A_164 = arith.constant 0x4B000000 : f32
          %parallel_loop3A_165 = vector.broadcast %parallel_loop3A_164 : f32 to vector<16xf32>
          %parallel_loop3A_166 = arith.addf %parallel_loop3A_163, %parallel_loop3A_165 : vector<16xf32>
          %parallel_loop3A_167 = vector.bitcast %parallel_loop3A_166 : vector<16xf32> to vector<16xi32>
          %parallel_loop3A_168 = vector.broadcast %sub3A_72 : i32 to vector<16xi32>
          %parallel_loop3A_169 = arith.addi %parallel_loop3A_167, %parallel_loop3A_168 : vector<16xi32>
          %parallel_loop3A_170 = tpu.vector_load_idx %arg5[%parallel_loop3A_169] : memref<6144xf32, #tpu.memory_space<vmem>>[vector<16xi32>], vector<16xf32>,
          %parallel_loop3A_171 = arith.index_cast %add3A_154 : i32 to index
          %parallel_loop3A_172 = arith.index_cast %parallel_loop3A_157 : i32 to index
          %parallel_loop3A_173 = tpu.vector_load %arg8[%parallel_loop3A_171, %parallel_loop3A_172] {strides = array<i32>} : memref<32x512xf32, #tpu.memory_space<vmem>>, vector<16xf32>,
          tpu.vector_store %arg8[%parallel_loop3A_171, %parallel_loop3A_172], %parallel_loop3A_170 {strides = array<i32>} : memref<32x512xf32, #tpu.memory_space<vmem>>, vector<16xf32>,
        } {sc.loop_unroll_factor = 8 : i64, sc.parallel_access}
      }
      %scan3A_77 = arith.constant 32 : i32
      %add3A_78 = arith.addi %mul3A_2, %add3A_33 : i32
      %mul3A_79 = arith.constant 32 : i32
      %mul3A_80 = arith.muli %add3A_78, %mul3A_79 : i32
      %dma_start3A_81 = arith.constant 0 : i32
      %dma_start3A_82 = tpu.memref_slice %arg4[%mul3A_80, %dma_start3A_81] : memref<12288x512xf32, #tpu.memory_space<hbm>> -> memref<32x512xf32, #tpu.memory_space<hbm>>
      %dma_start3A_83 = arith.constant 0 : i32
      %dma_start3A_84 = tpu.memref_slice %arg4[%mul3A_80, %dma_start3A_83] : memref<12288x512xf32, #tpu.memory_space<hbm>> -> memref<32x512xf32, #tpu.memory_space<hbm>>
      tpu.enqueue_dma source(%arg8 : memref<32x512xf32, #tpu.memory_space<vmem>>) target(%dma_start3A_84 : memref<32x512xf32, #tpu.memory_space<hbm>>) target_semaphore(%arg12 : memref<!tpu.dma_semaphore, #tpu.memory_space<semaphore_mem>>)
      %add3A_85 = arith.constant 2 : i32
      %add3A_86 = arith.addi %add3A_33, %add3A_85 : i32
      %lt3A = arith.constant 12 : i32
      %lt3A_87 = arith.cmpi slt, %add3A_86, %lt3A : i32
      %convert_element_type3A_88 = arith.extui %lt3A_87 : i1 to i32
      %cond3A_89 = arith.constant 0 : i32
      %cond3A_90 = arith.cmpi ne, %convert_element_type3A_88, %cond3A_89 : i32
      scf.if %cond3A_90 {
        %add3A_150 = arith.constant 2 : i32
        %add3A_151 = arith.addi %add3A_33, %add3A_150 : i32
        %add3A_152 = arith.addi %mul3A_2, %add3A_151 : i32
        %mul3A_153 = arith.constant 32 : i32
        %mul3A_154 = arith.muli %add3A_152, %mul3A_153 : i32
        %dma_start3A_155 = arith.constant 0 : i32
        %dma_start3A_156 = tpu.memref_slice %arg2[%mul3A_154, %dma_start3A_155] : memref<12288x512xf32, #tpu.memory_space<hbm>> -> memref<32x512xf32, #tpu.memory_space<hbm>>
        %dma_start3A_157 = arith.constant 0 : i32
        %dma_start3A_158 = tpu.memref_slice %arg2[%mul3A_154, %dma_start3A_157] : memref<12288x512xf32, #tpu.memory_space<hbm>> -> memref<32x512xf32, #tpu.memory_space<hbm>>
        tpu.enqueue_dma source(%dma_start3A_158 : memref<32x512xf32, #tpu.memory_space<hbm>>) target(%arg6 : memref<32x512xf32, #tpu.memory_space<vmem>>) target_semaphore(%arg10 : memref<!tpu.dma_semaphore, #tpu.memory_space<semaphore_mem>>)
      } else {
      }
      %add3A_91 = arith.constant 1 : i32
      %add3A_92 = arith.addi %add3A_33, %add3A_91 : i32
      %add3A_93 = arith.addi %mul3A_2, %add3A_92 : i32
      %mul3A_94 = arith.constant 32 : i32
      %mul3A_95 = arith.muli %add3A_93, %mul3A_94 : i32
      %dma_wait3A_96 = arith.constant 0 : i32
      %dma_wait3A_97 = tpu.memref_slice %arg2[%mul3A_95, %dma_wait3A_96] : memref<12288x512xf32, #tpu.memory_space<hbm>> -> memref<32x512xf32, #tpu.memory_space<hbm>>
      %dma_wait3A_98 = arith.constant 0 : i32
      %dma_wait3A_99 = tpu.memref_slice %arg2[%mul3A_95, %dma_wait3A_98] : memref<12288x512xf32, #tpu.memory_space<hbm>> -> memref<32x512xf32, #tpu.memory_space<hbm>>
      tpu.wait_dma2 semaphore(%arg11 : memref<!tpu.dma_semaphore, #tpu.memory_space<semaphore_mem>>) src(%dma_wait3A_99 : memref<32x512xf32, #tpu.memory_space<hbm>>) dst(%arg7 : memref<32x512xf32, #tpu.memory_space<vmem>>)
      %gt3A_100 = arith.constant 0 : i32
      %gt3A_101 = arith.cmpi sgt, %add3A_33, %gt3A_100 : i32
      %convert_element_type3A_102 = arith.extui %gt3A_101 : i1 to i32
      %cond3A_103 = arith.constant 0 : i32
      %cond3A_104 = arith.cmpi ne, %convert_element_type3A_102, %cond3A_103 : i32
      scf.if %cond3A_104 {
        %sub3A_150 = arith.constant 1 : i32
        %sub3A_151 = arith.subi %add3A_33, %sub3A_150 : i32
        %add3A_152 = arith.addi %mul3A_2, %sub3A_151 : i32
        %mul3A_153 = arith.constant 32 : i32
        %mul3A_154 = arith.muli %add3A_152, %mul3A_153 : i32
        %dma_wait3A_155 = arith.constant 0 : i32
        %dma_wait3A_156 = tpu.memref_slice %arg4[%mul3A_154, %dma_wait3A_155] : memref<12288x512xf32, #tpu.memory_space<hbm>> -> memref<32x512xf32, #tpu.memory_space<hbm>>
        %dma_wait3A_157 = arith.constant 0 : i32
        %dma_wait3A_158 = tpu.memref_slice %arg4[%mul3A_154, %dma_wait3A_157] : memref<12288x512xf32, #tpu.memory_space<hbm>> -> memref<32x512xf32, #tpu.memory_space<hbm>>
        tpu.wait_dma2 semaphore(%arg13 : memref<!tpu.dma_semaphore, #tpu.memory_space<semaphore_mem>>) src(%arg9 : memref<32x512xf32, #tpu.memory_space<vmem>>) dst(%dma_wait3A_158 : memref<32x512xf32, #tpu.memory_space<hbm>>)
      } else {
      }
      %add3A_105 = arith.constant 1 : i32
      %add3A_106 = arith.addi %add3A_33, %add3A_105 : i32
      %add3A_107 = arith.addi %mul3A_2, %add3A_106 : i32
      %jit3A_108 = arith.constant 16 : i32
      %div3A_109 = arith.divsi %add3A_107, %jit3A_108 : i32
      %sign3A_110 = arith.constant 0 : i32
      %sign3A_111 = arith.cmpi sgt, %add3A_107, %sign3A_110 : i32
      %sign3A_112 = arith.extui %sign3A_111 : i1 to i32
      %sign3A_113 = arith.constant 0 : i32
      %sign3A_114 = arith.cmpi slt, %add3A_107, %sign3A_113 : i32
      %sign3A_115 = arith.extui %sign3A_114 : i1 to i32
      %sign3A_116 = arith.subi %sign3A_112, %sign3A_115 : i32
      %sign3A_117 = arith.constant 0 : i32
      %sign3A_118 = arith.cmpi sgt, %jit3A_108, %sign3A_117 : i32
      %sign3A_119 = arith.extui %sign3A_118 : i1 to i32
      %sign3A_120 = arith.constant 0 : i32
      %sign3A_121 = arith.cmpi slt, %jit3A_108, %sign3A_120 : i32
      %sign3A_122 = arith.extui %sign3A_121 : i1 to i32
      %sign3A_123 = arith.subi %sign3A_119, %sign3A_122 : i32
      %ne3A_124 = arith.cmpi ne, %sign3A_116, %sign3A_123 : i32
      %rem3A_125 = arith.remsi %add3A_107, %jit3A_108 : i32
      %ne3A_126 = arith.constant 0 : i32
      %ne3A_127 = arith.cmpi ne, %rem3A_125, %ne3A_126 : i32
      %and3A_128 = arith.andi %ne3A_124, %ne3A_127 : i1
      %sub3A_129 = arith.constant 1 : i32
      %sub3A_130 = arith.subi %div3A_109, %sub3A_129 : i32
      %select_n3A_131 = arith.select %and3A_128, %sub3A_130, %div3A_109 : i32
      %mul3A_132 = arith.constant 256 : i32
      %mul3A_133 = arith.muli %select_n3A_131, %mul3A_132 : i32
      %sub3A_134 = arith.constant 1258291200 : i32
      %sub3A_135 = arith.subi %mul3A_133, %sub3A_134 : i32
      %scan3A_136 = arith.constant 0 : i32
      %scan3A_137 = arith.constant 32 : i32
      %scan3A_138 = arith.addi %scan3A_136, %scan3A_137 : i32
      %scan3A_139 = arith.constant 1 : i32
      scf.for %scan3A_150 = %scan3A_136 to %scan3A_138 step %scan3A_139  : i32 {
        %mul3A_151 = arith.constant 1 : i32
        %mul3A_152 = arith.muli %scan3A_150, %mul3A_151 : i32
        %add3A_153 = arith.constant 0 : i32
        %add3A_154 = arith.addi %add3A_153, %mul3A_152 : i32
        %parallel_loop3A = arith.constant 0 : i32
        %parallel_loop3A_155 = arith.constant 512 : i32
        %parallel_loop3A_156 = arith.constant 16 : i32
        scf.for %parallel_loop3A_157 = %parallel_loop3A to %parallel_loop3A_155 step %parallel_loop3A_156  : i32 {
          %parallel_loop3A_158 = arith.index_cast %add3A_154 : i32 to index
          %parallel_loop3A_159 = arith.index_cast %parallel_loop3A_157 : i32 to index
          %parallel_loop3A_160 = tpu.vector_load %arg7[%parallel_loop3A_158, %parallel_loop3A_159] {strides = array<i32>} : memref<32x512xf32, #tpu.memory_space<vmem>>, vector<16xf32>,
          %parallel_loop3A_161 = arith.constant 2.550000e+02 : f32
          %parallel_loop3A_162 = vector.broadcast %parallel_loop3A_161 : f32 to vector<16xf32>
          %parallel_loop3A_163 = arith.mulf %parallel_loop3A_160, %parallel_loop3A_162 : vector<16xf32>
          %parallel_loop3A_164 = arith.constant 0x4B000000 : f32
          %parallel_loop3A_165 = vector.broadcast %parallel_loop3A_164 : f32 to vector<16xf32>
          %parallel_loop3A_166 = arith.addf %parallel_loop3A_163, %parallel_loop3A_165 : vector<16xf32>
          %parallel_loop3A_167 = vector.bitcast %parallel_loop3A_166 : vector<16xf32> to vector<16xi32>
          %parallel_loop3A_168 = vector.broadcast %sub3A_135 : i32 to vector<16xi32>
          %parallel_loop3A_169 = arith.addi %parallel_loop3A_167, %parallel_loop3A_168 : vector<16xi32>
          %parallel_loop3A_170 = tpu.vector_load_idx %arg5[%parallel_loop3A_169] : memref<6144xf32, #tpu.memory_space<vmem>>[vector<16xi32>], vector<16xf32>,
          %parallel_loop3A_171 = arith.index_cast %add3A_154 : i32 to index
          %parallel_loop3A_172 = arith.index_cast %parallel_loop3A_157 : i32 to index
          %parallel_loop3A_173 = tpu.vector_load %arg9[%parallel_loop3A_171, %parallel_loop3A_172] {strides = array<i32>} : memref<32x512xf32, #tpu.memory_space<vmem>>, vector<16xf32>,
          tpu.vector_store %arg9[%parallel_loop3A_171, %parallel_loop3A_172], %parallel_loop3A_170 {strides = array<i32>} : memref<32x512xf32, #tpu.memory_space<vmem>>, vector<16xf32>,
        } {sc.loop_unroll_factor = 8 : i64, sc.parallel_access}
      }
      %scan3A_140 = arith.constant 32 : i32
      %add3A_141 = arith.constant 1 : i32
      %add3A_142 = arith.addi %add3A_33, %add3A_141 : i32
      %add3A_143 = arith.addi %mul3A_2, %add3A_142 : i32
      %mul3A_144 = arith.constant 32 : i32
      %mul3A_145 = arith.muli %add3A_143, %mul3A_144 : i32
      %dma_start3A_146 = arith.constant 0 : i32
      %dma_start3A_147 = tpu.memref_slice %arg4[%mul3A_145, %dma_start3A_146] : memref<12288x512xf32, #tpu.memory_space<hbm>> -> memref<32x512xf32, #tpu.memory_space<hbm>>
      %dma_start3A_148 = arith.constant 0 : i32
      %dma_start3A_149 = tpu.memref_slice %arg4[%mul3A_145, %dma_start3A_148] : memref<12288x512xf32, #tpu.memory_space<hbm>> -> memref<32x512xf32, #tpu.memory_space<hbm>>
      tpu.enqueue_dma source(%arg9 : memref<32x512xf32, #tpu.memory_space<vmem>>) target(%dma_start3A_149 : memref<32x512xf32, #tpu.memory_space<hbm>>) target_semaphore(%arg13 : memref<!tpu.dma_semaphore, #tpu.memory_space<semaphore_mem>>)
    }
    %scan3A_13 = arith.constant 6 : i32
    %add3A_14 = arith.constant 10 : i32
    %add3A_15 = arith.addi %mul3A_2, %add3A_14 : i32
    %mul3A_16 = arith.constant 32 : i32
    %mul3A_17 = arith.muli %add3A_15, %mul3A_16 : i32
    %dma_wait3A = arith.constant 0 : i32
    %dma_wait3A_18 = tpu.memref_slice %arg4[%mul3A_17, %dma_wait3A] : memref<12288x512xf32, #tpu.memory_space<hbm>> -> memref<32x512xf32, #tpu.memory_space<hbm>>
    %dma_wait3A_19 = arith.constant 0 : i32
    %dma_wait3A_20 = tpu.memref_slice %arg4[%mul3A_17, %dma_wait3A_19] : memref<12288x512xf32, #tpu.memory_space<hbm>> -> memref<32x512xf32, #tpu.memory_space<hbm>>
    tpu.wait_dma2 semaphore(%arg12 : memref<!tpu.dma_semaphore, #tpu.memory_space<semaphore_mem>>) src(%arg8 : memref<32x512xf32, #tpu.memory_space<vmem>>) dst(%dma_wait3A_20 : memref<32x512xf32, #tpu.memory_space<hbm>>)
    %add3A_21 = arith.constant 11 : i32
    %add3A_22 = arith.addi %mul3A_2, %add3A_21 : i32
    %mul3A_23 = arith.constant 32 : i32
    %mul3A_24 = arith.muli %add3A_22, %mul3A_23 : i32
    %dma_wait3A_25 = arith.constant 0 : i32
    %dma_wait3A_26 = tpu.memref_slice %arg4[%mul3A_24, %dma_wait3A_25] : memref<12288x512xf32, #tpu.memory_space<hbm>> -> memref<32x512xf32, #tpu.memory_space<hbm>>
    %dma_wait3A_27 = arith.constant 0 : i32
    %dma_wait3A_28 = tpu.memref_slice %arg4[%mul3A_24, %dma_wait3A_27] : memref<12288x512xf32, #tpu.memory_space<hbm>> -> memref<32x512xf32, #tpu.memory_space<hbm>>
    tpu.wait_dma2 semaphore(%arg13 : memref<!tpu.dma_semaphore, #tpu.memory_space<semaphore_mem>>) src(%arg9 : memref<32x512xf32, #tpu.memory_space<vmem>>) dst(%dma_wait3A_28 : memref<32x512xf32, #tpu.memory_space<hbm>>)
    return
  }
}

</mosaic_0001>

<sc_bundles>
// kernel: kernel.3.cloned.1.call-start
scs
__scs_entry_jumppad:
0x0: {  	(pc) =	sbr.rel $0x88, $3  }
0x1: {  	(tag) =	ssettag $0x0;
	lr =	simm.s32 $0x1  }
0x2: {  	[smem:$0x3F9F] =	sst lr;
	_ =	strace $0xD0000000  }
0x3: {  	_ = 	snop  }
0x4: {  	_ = 	snop  }
0x5: {  	_ = 	snop  }
0x6: {  	_ = 	snop  }
0x7: {  	_ = 	snop  }
__scs_overlays_trampoline_lowered:
0x8: {  	[smem:$0x3FAE] =	sst s0  }
0x9: {  	[smem:$0x3FAF] =	sst s1  }
0xa: {  	[smem:$0x3FB0] =	sst s2  }
0xb: {  	[smem:$0x3FB1] =	sst s3  }
0xc: {  	[smem:$0x3FB2] =	sst s4  }
0xd: {  	[smem:$0x3FB3] =	sst s5  }
0xe: {  	[smem:$0x3FB4] =	sst s6  }
0xf: {  	[smem:$0x3FB5] =	sst s7  }
0x10: {  	[smem:$0x3FB6] =	sst s8  }
0x11: {  	[smem:$0x3FB7] =	sst s9;
	s0 =	simm.s32 @!p0 $0x0  }
0x12: {  	s1 =	sld [smem:$0x3F9D];
	s0 =	simm.s32 @p0 $0x1  }
0x13: {  	[smem:$0x3FB8] =	sst s0;
	s0 =	simm.s32 @!p1 $0x0  }
0x14: {  	s2 =	sld [smem:$0x3F9C];
	s0 =	simm.s32 @p1 $0x1  }
0x15: {  	[smem:$0x3FB9] =	sst s0;
	s0 =	simm.s32 @!p2 $0x0  }
0x16: {  	s3 =	sld [smem:$0x3FDB];
	s0 =	simm.s32 @p2 $0x1  }
0x17: {  	s4 =	simm.s32 $0x1BF5;
	[smem:$0x3FBB] =	sst s0  }
0x18: {  	s0 =	sld [smem:$0x3F9E];
	_ =	swait.ge [sflag:s4], $0x0  }
0x19: {  	s7 =	sld [smem:$0x3F9F]  }
0x1a: {  	s8 =	sadd.s32 $0xFFFFE003, lr  }
0x1b: {  	s9 =	sadd.s32 $0xFFFFFEF7, lr;
	s5 =	simm.s32 $0xFFFFFFFF;
	p2 =	slt.u32 s8, $0xFFFFF086  }
0x1c: {  	p1 =	slt.u32 s9, $0xF7A;
	s5 =	simm.s32 @!p2 $0x0  }
0x1d: {  	s5 =	simm.s32 @p1 $0x1;
	p0 =	seq.s32 s7, s2  }
0x1e: {  	s7 =	smul.u32 @!p0 $0xF7A, s2;
	p2 =	seq.s32 @!p0 s5, $0x0  }
0x1f: {  	s9 =	smul.u32 $0xF7A, s1;
	s8 =	simm.s32 @!p0 $0x1BF5;
	p2 =	por !p2, p0  }
0x20: {  	[sflag:s8] =	ssyncset.s32 @!p0 $0xFFFFF086;
	s6 =	sadd.s32 @!p0 s3, s7;
	s7 =	simm.s32 @!p0 $0x108  }
0x21: {  	s3 =	sadd.s32 s3, s9;
	s6 =	sadd.s32 @!p0 $0x88, s6;
	s7 =	simm.s32 @p2 $0x1082  }
0x22: {  	[simem:s7], [sflag:s8] =	dma.local @!p0 [hbm:s6], $0xF7A  }
0x23: {  	s9 =	sor.u32 $0xD0000000, s2;
	s6 =	simm.s32 $0x108;
	_ =	swait.ge @!p0 [sflag:s8], $0x0  }
0x24: {  	s3 =	sadd.s32 $0x88, s3;
	s6 =	simm.s32 @!p1 $0x1082;
	[sflag:s4] =	ssyncset.s32 $0xFFFFF086  }
0x25: {  	[simem:s6], [sflag:s4] =	dma.local [hbm:s3], $0xF7A  }
0x26: {  	[smem:$0x3F9F] =	sst s1;
	(tag) =	ssettag s2;
	_ =	strace s9  }
0x27: {  	s1 =	sld [smem:$0x3FAF]  }
0x28: {  	s2 =	sld [smem:$0x3FB0]  }
0x29: {  	s4 =	sld [smem:$0x3FB2]  }
0x2a: {  	p0 =	seq.s32 s5, $0x0;
	s5 =	sld [smem:$0x3FB3]  }
0x2b: {  	s6 =	sld [smem:$0x3FB4]  }
0x2c: {  	s7 =	sld [smem:$0x3FB5]  }
0x2d: {  	s3 =	simm.s32 $0x108;
	s8 =	sld [smem:$0x3FB6]  }
0x2e: {  	s3 =	simm.s32 @!p0 $0x1082;
	s9 =	sld [smem:$0x3FB7]  }
0x2f: {  	lr =	sadd.s32 s0, s3;
	s0 =	sld [smem:$0x3FAE]  }
0x30: {  	s3 =	sld [smem:$0x3FB1]  }
0x31: {  	[smem:$0x3FBA] =	sst s10  }
0x32: {  	s10 =	sld [smem:$0x3FB8];
	_ =	sdelay $0x3  }
0x33: {  	p0 =	seq.s32 s10, $0x1;
	s10 =	sld [smem:$0x3FBA];
	_ =	sdelay $0x3  }
0x34: {  	[smem:$0x3FBA] =	sst s10  }
0x35: {  	s10 =	sld [smem:$0x3FB9];
	_ =	sdelay $0x3  }
0x36: {  	p1 =	seq.s32 s10, $0x1;
	s10 =	sld [smem:$0x3FBA];
	_ =	sdelay $0x3  }
0x37: {  	[smem:$0x3FBA] =	sst s10  }
0x38: {  	s10 =	sld [smem:$0x3FBB]  }
0x39: {  	_ = 	snop;
	(pc) =	sbr.ind lr, $3  }
0x3a: {  	_ = 	snop  }
0x3b: {  	_ = 	snop  }
0x3c: {  	p2 =	seq.s32 s10, $0x1;
	s10 =	sld [smem:$0x3FBA]  }
0x3d: {  	_ =	shalt  }
0x3e: {  	_ =	shalt  }
0x3f: {  	_ =	shalt  }
0x40: {  	_ =	shalt  }
0x41: {  	_ =	shalt  }
0x42: {  	_ =	shalt  }
0x43: {  	_ =	shalt  }
0x44: {  	_ =	shalt  }
0x45: {  	_ =	shalt  }
0x46: {  	_ =	shalt  }
0x47: {  	_ =	shalt  }
0x48: {  	_ =	shalt  }
0x49: {  	_ =	shalt  }
0x4a: {  	_ =	shalt  }
0x4b: {  	_ =	shalt  }
0x4c: {  	_ =	shalt  }
0x4d: {  	_ =	shalt  }
0x4e: {  	_ =	shalt  }
0x4f: {  	_ =	shalt  }
0x50: {  	_ =	shalt  }
0x51: {  	_ =	shalt  }
0x52: {  	_ =	shalt  }
0x53: {  	_ =	shalt  }
0x54: {  	_ =	shalt  }
0x55: {  	_ =	shalt  }
0x56: {  	_ =	shalt  }
0x57: {  	_ =	shalt  }
0x58: {  	_ =	shalt  }
0x59: {  	_ =	shalt  }
0x5a: {  	_ =	shalt  }
0x5b: {  	_ =	shalt  }
0x5c: {  	_ =	shalt  }
0x5d: {  	_ =	shalt  }
0x5e: {  	_ =	shalt  }
0x5f: {  	_ =	shalt  }
0x60: {  	_ =	shalt  }
0x61: {  	_ =	shalt  }
0x62: {  	_ =	shalt  }
0x63: {  	_ =	shalt  }
0x64: {  	_ =	shalt  }
0x65: {  	_ =	shalt  }
0x66: {  	_ =	shalt  }
0x67: {  	_ =	shalt  }
0x68: {  	_ =	shalt  }
0x69: {  	_ =	shalt  }
0x6a: {  	_ =	shalt  }
0x6b: {  	_ =	shalt  }
0x6c: {  	_ =	shalt  }
0x6d: {  	_ =	shalt  }
0x6e: {  	_ =	shalt  }
0x6f: {  	_ =	shalt  }
0x70: {  	_ =	shalt  }
0x71: {  	_ =	shalt  }
0x72: {  	_ =	shalt  }
0x73: {  	_ =	shalt  }
0x74: {  	_ =	shalt  }
0x75: {  	_ =	shalt  }
0x76: {  	_ =	shalt  }
0x77: {  	_ =	shalt  }
0x78: {  	_ =	shalt  }
0x79: {  	_ =	shalt  }
0x7a: {  	_ =	shalt  }
0x7b: {  	_ =	shalt  }
0x7c: {  	_ =	shalt  }
0x7d: {  	_ =	shalt  }
0x7e: {  	_ =	shalt  }
0x7f: {  	_ =	shalt  }
0x80: {  	_ =	shalt  }
0x81: {  	_ =	shalt  }
0x82: {  	_ =	shalt  }
0x83: {  	_ =	shalt  }
0x84: {  	_ =	shalt  }
0x85: {  	_ =	shalt  }
0x86: {  	_ =	shalt  }
0x87: {  	_ =	shalt  }
.Lfunc_end0:
.L_simem_size_0:
called_computation_lowered:
.L_overlay_start_0:
0x88: {  	s2 =	sld [smem:$0x3FD9]  }
0x89: {  	s3 =	sld [smem:$0x3FFE];
	_ =	sdelay $0x1  }
0x8a: {  	s1 =	srdreg.scid  }
0x8b: {  	s0 =	sand.u32 $0x1, s1  }
0x8c: {  	s17 =	sshll.u32 s0, $0xA;
	s2 =	sadd.s32 s3, s2  }
0x8d: {  	s2 =	sadd.s32 s2, s17  }
0x8e: {  	[smem:$0x3FC6] =	sst s2  }
0x8f: {  	_ = 	snop  }
0x90: {  	s2 =	sld [smem:$0x3FC9]  }
0x91: {  	s18 =	sld [smem:$0x3FD0];
	(tm) =	ssettm $0x1  }
0x92: {  	s4 =	sld [smem:$0x3FFB];
	_ =	sdelay $0x3  }
0x93: {  	_ =	strace s4  }
0x94: {  	s4 =	sld [smem:$0x3FFC];
	_ =	sdelay $0x3  }
0x95: {  	_ =	strace s4  }
0x96: {  	s4 =	sld [smem:$0x3FFD];
	_ =	sdelay $0x3  }
0x97: {  	_ =	strace s4  }
0x98: {  	_ =	strace $0x8FFFFFFF  }
0x99: {  	s19 =	sld [smem:$0x3FDB];
	_ =	sdelay $0x1  }
0x9a: {  	s5 =	simm.s32 $_scs_section_size  }
0x9b: {  	s6 =	simm.s32 $_size__tile_overlayer_lowered;
	s7 =	simm.s32 $_tile_overlayer_lowered  }
0x9c: {  	s22 =	simm.s32 $0x1BFF;
	s21 =	sshll.u32 s7, $0x1;
	s4 =	sadd.s32 s5, s19  }
0x9d: {  	s8 =	simm.s32 $0x0;
	s20 =	sshll.u32 s6, $0x1;
	s6 =	sadd.s32 s21, s4  }
0x9e: {  	[timem:s8], [sflag:s22] =	dma.local [hbm:s6], s20  }
0x9f: {  	_ =	swait.ge [sflag:s22], s20  }
0xa0: {  	s5 =	ssub.s32 $0x0, s20;
	[sflag:s22] =	ssyncset.done $0x0  }
0xa1: {  	[sflag:s22] =	ssyncadd.s32 s5;
	_ =	sdelay $0x1  }
0xa2: {  	s23 =	simm.s32 $0x1B8B  }
0xa3: {  	_ =	swait.ge [sflag:s23], $0x1  }
0xa4: {  	[sflag:s23] =	ssyncset.done $0x0  }
0xa5: {  	s25 =	simm.s32 $0x1B8E;
	s24 =	sld [smem:$0x3FFE];
	[sflag:s23] =	ssyncadd.s32 $0xFFFFFFFF  }
0xa6: {  	s26 =	simm.s32 $execute0_lowered;
	[smem:$0x3FD2] =	sst s25  }
0xa7: {  	s6 =	sshll.u32 s26, $0x1;
	_ =	strace $0x80000046;
	[dreg:$0x1] =	wrdreg $0xFFFFFFFF  }
0xa8: {  	s28 =	simm.s32 $_size_execute0_lowered;
	s4 =	sadd.s32 s4, s6;
	[dreg:$0x0] =	wrdreg $0x0  }
0xa9: {  	s6 =	sshll.u32 s28, $0x1;
	[dreg:$0x2] =	wrdreg s4  }
0xaa: {  	[dreg:$0x3] =	wrdreg s6  }
0xab: {  	[dreg:$0x4] =	wrdreg $0xC0  }
0xac: {  	_ =	task [dreg:s8], $0x5FFFF  }
0xad: {  	[dreg:$0x1] =	wrdreg $0xFFFFFFFF  }
0xae: {  	[dreg:$0x0] =	wrdreg $0x60  }
0xaf: {  	[dreg:$0x2] =	wrdreg s2  }
0xb0: {  	[dreg:$0x3] =	wrdreg s24  }
0xb1: {  	[dreg:$0x4] =	wrdreg s18  }
0xb2: {  	[dreg:$0x5] =	wrdreg $0x9  }
0xb3: {  	_ =	task.clear_ibuf [dreg:s8], $0x6FFFF;
	_ =	strace $0x90000046  }
0xb4: {  	s29 =	simm.s32 $0x9;
	_ =	strace $0x80000048  }
0xb5: {  	_ =	swait.ge [sflag:s29], $0x1  }
0xb6: {  	[sflag:s29] =	ssyncadd.s32 $0xFFFFFFFF  }
0xb7: {  	_ =	strace $0x90000048  }
0xb8: {  	_ =	sfence  }
0xb9: {  	s30 =	sld [smem:$0x0];
	_ =	sdelay $0x2  }
0xba: {  	s31 =	sshll.u32 s1, $0xD;
	s1 =	sshrl.u32 s1, $0x2  }
0xbb: {  	s3 =	sand.u32 $0x4000, s31;
	s1 =	sadd.s32 s1, s30  }
0xbc: {  	s0 =	sor.u32 s3, s0;
	s1 =	sshll.u32 s1, $0x11  }
0xbd: {  	s0 =	sor.u32 s1, s0  }
0xbe: {  	s0 =	sadd.s32 $0x8F2B, s0  }
0xbf: {  	[sflag:s0] =	ssyncadd.remote.s32 $0x1  }
0xc0: {  	_ =	sfence.sel $0xFFFF  }
0xc1: {  	[dreg:$0x0] =	wrdreg $0xFFFFFFFF;
	(pc) =	sbr.abs _section_cstart, $3  }
0xc2: {  	[dreg:$0x1] =	wrdreg $0xFFFFFFFF  }
0xc3: {  	_ =	task.clear_ibuf [dreg:s8], $0x2FFFF;
	_ =	strace $0x9FFFFFFF  }
0xc4: {  	(tm) =	ssettm $0x7FFFFFFF  }
0xc5: {  	_ =	shalt  }
tec
execute0_lowered:
.L_overlay_start_1:
0x0: {  	(tag) =	ssettag $0x1  }
0x1: {  	s1 =	rddreg [dreg:$0x0]  }
0x2: {  	s6 =	rddreg [dreg:$0x1]  }
0x3: {  	s2 =	srdreg.scid;
	s0 =	stileid.u32  }
0x4: {  	s3 =	rddreg [dreg:$0x2];
	s4 =	simm.s32 $0x0;
	s11 =	simm.s32 $0x1800  }
0x5: {  	s12 =	simm.s32 $0x5800;
	s13 =	simm.s32 $0x1;
	s14 =	simm.s32 $0x9800  }
0x6: {  	s15 =	simm.s32 $0x2;
	s16 =	simm.s32 $0x4;
	s17 =	simm.s32 $0xD800  }
0x7: {  	s18 =	simm.s32 $0x3;
	s5 =	sand.u32 $0x1, s2;
	s7 =	sshll.u32 s0, $0x1  }
0x8: {  	s19 =	simm.s32 $0x0;
	s2 =	rddreg [dreg:$0x3];
	s7 =	sor.u32 s5, s7  }
0x9: {  	[smem:$0x7FF] =	sst s4;
	s8 =	ssub.s32 $0x2, s5;
	s9 =	smul.u32 $0x6000, s7  }
0xa: {  	s6 =	sadd.s32 $0x400, s6;
	s10 =	sshrl.u32 s8, $0x1;
	s5 =	smul.u32 $0xC, s7  }
0xb: {  	_ =	strace $0x80000047;
	s10 =	ssub.s32 s8, s10;
	s7 =	sadd.s32 s1, s9  }
0xc: {  	s8 =	sor.u32 $0x2, s5;
	s9 =	smax.u32 s10, $0x1;
	s10 =	simm.s32 $0x5  }
.LBB2_1:
0xd: {  	[tilespmem:s4], [sflag:$0x5] =	stream.linear.gather [hbm4b:s6+s4], $0x1800, $0x38;
	[tilespmem:$0x11800] =	vst v63  }
0xe: {  	_ =	swait.ge [sflag:s10], $0x1800  }
0xf: {  	[sflag:s10] =	ssyncset.done $0x0  }
0x10: {  	s20 =	simm.s32 $0x0;
	[sflag:s10] =	ssyncadd.s32 $0xFFFFE800  }
0x11: {  	[tilespmem:s11], [sflag:$0x1] =	stream.linear.gather [hbm4b:s7+s4], $0x4000, $0x38;
	[tilespmem:$0x11800] =	vst v63  }
.LBB2_2:
0x12: {  	s23 =	sshll.u32 s20, $0x1  }
0x13: {  	s24 =	sadd.s32 s5, s23  }
0x14: {  	s22 =	sadd.s32 $0x1, s24  }
0x15: {  	s21 =	sshll.u32 s22, $0xB  }
0x16: {  	s21 =	sand.u32 $0x1FFFF800, s21  }
0x17: {  	s25 =	sadd.s32 s1, s21  }
0x18: {  	[tilespmem:s12], [sflag:$0x2] =	stream.linear.gather [hbm4b:s25+s4], $0x4000, $0x38;
	[tilespmem:$0x11800] =	vst v63  }
0x19: {  	_ =	swait.ge [sflag:s13], $0x4000  }
0x1a: {  	p0 =	seq.s32 s20, $0x0;
	[sflag:s13] =	ssyncset.done $0x0  }
0x1b: {  	s26 =	sshll.u32 s24, $0x4;
	s25 =	simm.s32 @!p0 $0x3;
	[sflag:s13] =	ssyncadd.s32 $0xFFFFC000  }
0x1c: {  	s26 =	sand.u32 $0x7FFFFF00, s26;
	_ =	swait.ge @!p0 [sflag:s25], $0x4000  }
0x1d: {  	s28 =	simm.s32 $0x0;
	s31 =	sadd.s32 $0xB5000000, s26;
	[sflag:s25] =	ssyncset.done @!p0 $0x0  }
0x1e: {  	s26 =	simm.s32 $0x0;
	v0 =	vmov s31;
	[sflag:s25] =	ssyncadd.s32 @!p0 $0xFFFFC000;
	s25 =	simm.s32 $0x0  }
.LBB2_3:
0x1f: {  	s29 =	sshll.u32 s26, $0x2;
	s30 =	sand.u32 $0x7, s25  }
0x20: {  	s29 =	sand.u32 $0xFFFFC000, s29;
	s30 =	sshll.u32 s30, $0x9  }
0x21: {  	s29 =	sor.u32 s30, s29  }
0x22: {  	s29 =	sshrl.u32 s29, $0x2  }
0x23: {  	s30 =	sadd.s32 $0x1840, s29  }
0x24: {  	v1 =	vld [tilespmem:s30+$0x30]  }
0x25: {  	v2 =	vld [tilespmem:s30+$0xFFFFFFD0]  }
0x26: {  	v3 =	vld [tilespmem:s30+$0xFFFFFFE0]  }
0x27: {  	v4 =	vld [tilespmem:s30+$0xFFFFFFF0]  }
0x28: {  	v5 =	vld [tilespmem:s30+$0xFFFFFFC0]  }
0x29: {  	v6 =	vld [tilespmem:s30+$0x0]  }
0x2a: {  	v7 =	vld [tilespmem:s30+$0x10]  }
0x2b: {  	v8 =	vld [tilespmem:s30+$0x20]  }
0x2c: {  	s31 =	sadd.s32 $0x400, s30;
	v1 =	vmul.f32 $2.550000000e+02, v1  }
0x2d: {  	v9 =	vld [tilespmem:s31+$0x30];
	v2 =	vmul.f32 $2.550000000e+02, v2;
	v5 =	vmul.f32 $2.550000000e+02, v5  }
0x2e: {  	v10 =	vld [tilespmem:s31+$0xFFFFFFD0];
	v3 =	vmul.f32 $2.550000000e+02, v3;
	v4 =	vmul.f32 $2.550000000e+02, v4;
	v1 =	vadd.f32 $8.388608000e+06, v1  }
0x2f: {  	v11 =	vld [tilespmem:s31+$0xFFFFFFE0];
	v6 =	vmul.f32 $2.550000000e+02, v6;
	v7 =	vmul.f32 $2.550000000e+02, v7;
	v2 =	vadd.f32 $8.388608000e+06, v2  }
0x30: {  	v12 =	vld [tilespmem:s31+$0xFFFFFFF0];
	v8 =	vmul.f32 $2.550000000e+02, v8;
	v5 =	vadd.f32 $8.388608000e+06, v5;
	v1 =	vadd.s32 v1, v0  }
0x31: {  	v13 =	vld [tilespmem:s31+$0x0];
	v3 =	vadd.f32 $8.388608000e+06, v3;
	v4 =	vadd.f32 $8.388608000e+06, v4;
	v2 =	vadd.s32 v2, v0  }
0x32: {  	v14 =	vld [tilespmem:s31+$0x10];
	v9 =	vmul.f32 $2.550000000e+02, v9;
	v6 =	vadd.f32 $8.388608000e+06, v6;
	v5 =	vadd.s32 v5, v0  }
0x33: {  	v17 =	vld [tilespmem:s31+$0xFFFFFFC0];
	v7 =	vadd.f32 $8.388608000e+06, v7;
	v3 =	vadd.s32 v3, v0;
	v4 =	vadd.s32 v4, v0  }
0x34: {  	v15 =	vadd.s32 v6, v0;
	v6 =	vadd.f32 $8.388608000e+06, v8;
	v8 =	vmul.f32 $2.550000000e+02, v10;
	v10 =	vld [tilespmem:s31+$0x20]  }
0x35: {  	v1 =	vld.idx.msk [tilespmem:v1+s4+$0x0], $0xffff  }
0x36: {  	v16 =	vadd.s32 v7, v0;
	v7 =	vadd.f32 $8.388608000e+06, v9;
	v2 =	vld.idx.msk [tilespmem:v2+s4+$0x0], $0xffff  }
0x37: {  	v9 =	vadd.s32 v6, v0;
	v6 =	vmul.f32 $2.550000000e+02, v11;
	v5 =	vld.idx.msk [tilespmem:v5+s4+$0x0], $0xffff  }
0x38: {  	v8 =	vadd.f32 $8.388608000e+06, v8;
	v11 =	vmul.f32 $2.550000000e+02, v12;
	v12 =	vadd.s32 v7, v0;
	v18 =	vld.idx.msk [tilespmem:v3+s4+$0x0], $0xffff  }
0x39: {  	v13 =	vmul.f32 $2.550000000e+02, v13;
	v3 =	vadd.f32 $8.388608000e+06, v6;
	v6 =	vld.idx.msk [tilespmem:v4+s4+$0x0], $0xffff  }
0x3a: {  	v19 =	vadd.s32 v8, v0;
	v4 =	vmul.f32 $2.550000000e+02, v14;
	v7 =	vld.idx.msk [tilespmem:v15+s4+$0x0], $0xffff  }
0x3b: {  	s29 =	sadd.s32 $0x9840, s29;
	v13 =	vadd.f32 $8.388608000e+06, v13;
	v10 =	vmul.f32 $2.550000000e+02, v10;
	v8 =	vld.idx.msk [tilespmem:v16+s4+$0x0], $0xffff;
	v14 =	vmul.f32 $2.550000000e+02, v17  }
0x3c: {  	v11 =	vadd.f32 $8.388608000e+06, v11;
	v4 =	vadd.f32 $8.388608000e+06, v4;
	v9 =	vld.idx.msk [tilespmem:v9+s4+$0x0], $0xffff;
	[tilespmem:s29+$0x30] =	vst v1  }
0x3d: {  	v15 =	vadd.f32 $8.388608000e+06, v10;
	v10 =	vld.idx.msk [tilespmem:v12+s4+$0x0], $0xffff;
	v12 =	vadd.f32 $8.388608000e+06, v14;
	[tilespmem:s29+$0xFFFFFFD0] =	vst v2  }
0x3e: {  	v4 =	vadd.s32 v4, v0;
	v1 =	vadd.s32 v3, v0;
	v3 =	vadd.s32 v11, v0;
	[tilespmem:s29+$0xFFFFFFC0] =	vst v5  }
0x3f: {  	s30 =	simm.s32 $0x80;
	s31 =	sadd.s32 $0x400, s31;
	v2 =	vadd.s32 v13, v0;
	v11 =	vld.idx.msk [tilespmem:v19+s4+$0x0], $0xffff;
	v5 =	vadd.s32 v15, v0;
	[tilespmem:s29+$0xFFFFFFE0] =	vst v18  }
.LBB2_4:
0x40: {  	v13 =	vld [tilespmem:s31+$0x30];
	s30 =	sadd.s32 $0x80, s30;
	v12 =	vadd.s32 v12, v0;
	[tilespmem:s29+$0xFFFFFFF0] =	vst v6  }
0x41: {  	v6 =	vld [tilespmem:s31+$0xFFFFFFD0];
	p1 =	slt.u32 s30, $0x180;
	[tilespmem:s29+$0x0] =	vst v7  }
0x42: {  	v7 =	vld [tilespmem:s31+$0xFFFFFFE0];
	[tilespmem:s29+$0x10] =	vst v8  }
0x43: {  	v8 =	vld [tilespmem:s31+$0xFFFFFFF0];
	[tilespmem:s29+$0x20] =	vst v9;
	s29 =	sadd.s32 $0x400, s29  }
0x44: {  	v9 =	vld [tilespmem:s31+$0x0];
	[tilespmem:s29+$0x30] =	vst v10  }
0x45: {  	v10 =	vld [tilespmem:s31+$0x10];
	v13 =	vmul.f32 $2.550000000e+02, v13;
	[tilespmem:s29+$0xFFFFFFD0] =	vst v11  }
0x46: {  	v6 =	vmul.f32 $2.550000000e+02, v6;
	v11 =	vld [tilespmem:s31+$0x20]  }
0x47: {  	v14 =	vld [tilespmem:s31+$0xFFFFFFC0];
	v7 =	vmul.f32 $2.550000000e+02, v7;
	v13 =	vadd.f32 $8.388608000e+06, v13  }
0x48: {  	v6 =	vadd.f32 $8.388608000e+06, v6;
	v8 =	vmul.f32 $2.550000000e+02, v8;
	v15 =	vld.idx.msk [tilespmem:v12+s4+$0x0], $0xffff  }
0x49: {  	v7 =	vadd.f32 $8.388608000e+06, v7;
	v9 =	vmul.f32 $2.550000000e+02, v9;
	v13 =	vadd.s32 v13, v0;
	v16 =	vld.idx.msk [tilespmem:v1+s4+$0x0], $0xffff  }
0x4a: {  	v17 =	vadd.s32 v6, v0;
	v8 =	vadd.f32 $8.388608000e+06, v8;
	v10 =	vmul.f32 $2.550000000e+02, v10;
	v6 =	vld.idx.msk [tilespmem:v3+s4+$0x0], $0xffff  }
.Ltmp0:
0x4b: {  	v1 =	vadd.s32 v7, v0;
	v9 =	vadd.f32 $8.388608000e+06, v9;
	v11 =	vmul.f32 $2.550000000e+02, v11;
	v7 =	vld.idx.msk [tilespmem:v2+s4+$0x0], $0xffff;
	(pc) =	sbr.rel @p1 .LBB2_4-.Ltmp0, $4  }
0x4c: {  	v12 =	vmul.f32 $2.550000000e+02, v14;
	v3 =	vadd.s32 v8, v0;
	v10 =	vadd.f32 $8.388608000e+06, v10;
	v8 =	vld.idx.msk [tilespmem:v4+s4+$0x0], $0xffff  }
0x4d: {  	v2 =	vadd.s32 v9, v0;
	v14 =	vadd.f32 $8.388608000e+06, v11;
	v9 =	vld.idx.msk [tilespmem:v5+s4+$0x0], $0xffff  }
0x4e: {  	v12 =	vadd.f32 $8.388608000e+06, v12;
	v4 =	vadd.s32 v10, v0;
	v10 =	vld.idx.msk [tilespmem:v13+s4+$0x0], $0xffff;
	[tilespmem:s29+$0xFFFFFFC0] =	vst v15  }
0x4f: {  	s31 =	sadd.s32 $0x400, s31;
	v11 =	vld.idx.msk [tilespmem:v17+s4+$0x0], $0xffff;
	v5 =	vadd.s32 v14, v0;
	[tilespmem:s29+$0xFFFFFFE0] =	vst v16  }
0x50: {  	_ =	sdelay $0x2  }
0x51: {  	[tilespmem:s29+$0xFFFFFFF0] =	vst v6  }
0x52: {  	v12 =	vadd.s32 v12, v0;
	[tilespmem:s29+$0x0] =	vst v7;
	v1 =	vld.idx.msk [tilespmem:v1+s4+$0x0], $0xffff  }
0x53: {  	v3 =	vld.idx.msk [tilespmem:v3+s4+$0x0], $0xffff;
	[tilespmem:s29+$0x10] =	vst v8  }
0x54: {  	s31 =	sadd.s32 $0x400, s29;
	v2 =	vld.idx.msk [tilespmem:v2+s4+$0x0], $0xffff;
	[tilespmem:s29+$0x20] =	vst v9  }
0x55: {  	v4 =	vld.idx.msk [tilespmem:v4+s4+$0x0], $0xffff;
	[tilespmem:s31+$0x30] =	vst v10  }
0x56: {  	v5 =	vld.idx.msk [tilespmem:v5+s4+$0x0], $0xffff;
	s28 =	sadd.s32 $0x1, s28;
	[tilespmem:s31+$0xFFFFFFD0] =	vst v11  }
0x57: {  	p1 =	sne.s32 s28, $0x20;
	v63 =	vld.idx.msk [tilespmem:v12+s4+$0x0], $0xffff;
	[tilespmem:s31+$0xFFFFFFE0] =	vst v1  }
.Ltmp1:
0x58: {  	[tilespmem:s31+$0xFFFFFFF0] =	vst v3;
	(pc) =	sbr.rel @p1 .LBB2_3-.Ltmp1, $4  }
0x59: {  	[tilespmem:s31+$0x0] =	vst v2  }
0x5a: {  	[tilespmem:s31+$0x10] =	vst v4  }
0x5b: {  	[tilespmem:s31+$0x20] =	vst v5  }
0x5c: {  	s26 =	sadd.s32 $0x200, s26;
	s25 =	sadd.s32 $0x1, s25;
	[tilespmem:s31+$0xFFFFFFC0] =	vst v63  }
0x5d: {  	p1 =	sne.s32 s20, $0x5  }
.Ltmp2:
0x5e: {  	_ = 	snop;
	(pc) =	sbr.rel @p1 .LBB2_8-.Ltmp2, $4  }
0x5f: {  	_ = 	snop  }
0x60: {  	s24 =	sshll.u32 s24, $0xB  }
0x61: {  	s24 =	sadd.s32 s3, s24  }
0x62: {  	[hbm4b:s24+s4] =	stream.linear.scatter [tilespmem:s14], [sflag:$0x3], $0x4000, $0x38;
	[tilespmem:$0x11800] =	vst v63  }
.Ltmp3:
0x63: {  	(pc) =	sbr.rel .LBB2_9-.Ltmp3, $4  }
0x64: {  	_ = 	snop  }
0x65: {  	_ =	swait.ge [sflag:s15], $0x4000  }
0x66: {  	[sflag:s15] =	ssyncset.done $0x0  }
0x67: {  	[sflag:s15] =	ssyncadd.s32 $0xFFFFC000  }
.LBB2_8:
0x68: {  	s23 =	sadd.s32 s23, s8  }
0x69: {  	s23 =	sshll.u32 s23, $0xB  }
0x6a: {  	s23 =	sand.u32 $0x1FFFF000, s23  }
.Ltmp4:
0x6b: {  	s23 =	sadd.s32 s1, s23;
	(pc) =	sbr.rel @p0 .LBB2_10-.Ltmp4, $4  }
0x6c: {  	[tilespmem:s11], [sflag:$0x1] =	stream.linear.gather [hbm4b:s23+s4], $0x4000, $0x38;
	[tilespmem:$0x11800] =	vst v63  }
0x6d: {  	_ =	swait.ge [sflag:s15], $0x4000  }
0x6e: {  	[sflag:s15] =	ssyncset.done $0x0  }
0x6f: {  	[sflag:s15] =	ssyncadd.s32 $0xFFFFC000  }
.LBB2_9:
0x70: {  	_ =	swait.ge [sflag:s16], $0x4000  }
0x71: {  	[sflag:s16] =	ssyncset.done $0x0  }
0x72: {  	[sflag:s16] =	ssyncadd.s32 $0xFFFFC000  }
.LBB2_10:
0x73: {  	s22 =	sshll.u32 s22, $0x4  }
0x74: {  	s22 =	sand.u32 $0x7FFFFF00, s22  }
0x75: {  	s22 =	sadd.s32 $0xB5000000, s22  }
0x76: {  	s23 =	simm.s32 $0x0;
	s24 =	simm.s32 $0x0;
	v0 =	vmov s22;
	s22 =	simm.s32 $0x0  }
.LBB2_11:
0x77: {  	s25 =	sshll.u32 s23, $0x2;
	s26 =	sand.u32 $0x7, s22  }
0x78: {  	s25 =	sand.u32 $0xFFFFC000, s25;
	s26 =	sshll.u32 s26, $0x9  }
0x79: {  	s25 =	sor.u32 s26, s25  }
0x7a: {  	s25 =	sshrl.u32 s25, $0x2  }
0x7b: {  	s31 =	sadd.s32 $0x5840, s25  }
0x7c: {  	v1 =	vld [tilespmem:s31+$0x30]  }
0x7d: {  	v2 =	vld [tilespmem:s31+$0xFFFFFFD0]  }
0x7e: {  	v3 =	vld [tilespmem:s31+$0xFFFFFFE0]  }
0x7f: {  	v4 =	vld [tilespmem:s31+$0xFFFFFFF0]  }
0x80: {  	v5 =	vld [tilespmem:s31+$0xFFFFFFC0]  }
0x81: {  	v6 =	vld [tilespmem:s31+$0x0]  }
0x82: {  	v7 =	vld [tilespmem:s31+$0x10]  }
0x83: {  	v8 =	vld [tilespmem:s31+$0x20]  }
0x84: {  	s28 =	sadd.s32 $0x400, s31;
	v1 =	vmul.f32 $2.550000000e+02, v1  }
0x85: {  	v9 =	vld [tilespmem:s28+$0x30];
	v2 =	vmul.f32 $2.550000000e+02, v2;
	v5 =	vmul.f32 $2.550000000e+02, v5  }
0x86: {  	v10 =	vld [tilespmem:s28+$0xFFFFFFD0];
	v3 =	vmul.f32 $2.550000000e+02, v3;
	v4 =	vmul.f32 $2.550000000e+02, v4;
	v1 =	vadd.f32 $8.388608000e+06, v1  }
0x87: {  	v11 =	vld [tilespmem:s28+$0xFFFFFFE0];
	v6 =	vmul.f32 $2.550000000e+02, v6;
	v7 =	vmul.f32 $2.550000000e+02, v7;
	v2 =	vadd.f32 $8.388608000e+06, v2  }
0x88: {  	v12 =	vld [tilespmem:s28+$0xFFFFFFF0];
	v8 =	vmul.f32 $2.550000000e+02, v8;
	v5 =	vadd.f32 $8.388608000e+06, v5;
	v1 =	vadd.s32 v1, v0  }
0x89: {  	v13 =	vld [tilespmem:s28+$0x0];
	v3 =	vadd.f32 $8.388608000e+06, v3;
	v4 =	vadd.f32 $8.388608000e+06, v4;
	v2 =	vadd.s32 v2, v0  }
0x8a: {  	v14 =	vld [tilespmem:s28+$0x10];
	v9 =	vmul.f32 $2.550000000e+02, v9;
	v6 =	vadd.f32 $8.388608000e+06, v6;
	v5 =	vadd.s32 v5, v0  }
0x8b: {  	v17 =	vld [tilespmem:s28+$0xFFFFFFC0];
	v7 =	vadd.f32 $8.388608000e+06, v7;
	v3 =	vadd.s32 v3, v0;
	v4 =	vadd.s32 v4, v0  }
0x8c: {  	v15 =	vadd.s32 v6, v0;
	v6 =	vadd.f32 $8.388608000e+06, v8;
	v8 =	vmul.f32 $2.550000000e+02, v10;
	v10 =	vld [tilespmem:s28+$0x20]  }
0x8d: {  	v1 =	vld.idx.msk [tilespmem:v1+s4+$0x0], $0xffff  }
0x8e: {  	v16 =	vadd.s32 v7, v0;
	v7 =	vadd.f32 $8.388608000e+06, v9;
	v2 =	vld.idx.msk [tilespmem:v2+s4+$0x0], $0xffff  }
0x8f: {  	v9 =	vadd.s32 v6, v0;
	v6 =	vmul.f32 $2.550000000e+02, v11;
	v5 =	vld.idx.msk [tilespmem:v5+s4+$0x0], $0xffff  }
0x90: {  	v8 =	vadd.f32 $8.388608000e+06, v8;
	v11 =	vmul.f32 $2.550000000e+02, v12;
	v12 =	vadd.s32 v7, v0;
	v18 =	vld.idx.msk [tilespmem:v3+s4+$0x0], $0xffff  }
0x91: {  	v13 =	vmul.f32 $2.550000000e+02, v13;
	v3 =	vadd.f32 $8.388608000e+06, v6;
	v6 =	vld.idx.msk [tilespmem:v4+s4+$0x0], $0xffff  }
0x92: {  	v19 =	vadd.s32 v8, v0;
	v4 =	vmul.f32 $2.550000000e+02, v14;
	v7 =	vld.idx.msk [tilespmem:v15+s4+$0x0], $0xffff  }
0x93: {  	s25 =	sadd.s32 $0xD840, s25;
	v13 =	vadd.f32 $8.388608000e+06, v13;
	v10 =	vmul.f32 $2.550000000e+02, v10;
	v8 =	vld.idx.msk [tilespmem:v16+s4+$0x0], $0xffff;
	v14 =	vmul.f32 $2.550000000e+02, v17  }
0x94: {  	v11 =	vadd.f32 $8.388608000e+06, v11;
	v4 =	vadd.f32 $8.388608000e+06, v4;
	v9 =	vld.idx.msk [tilespmem:v9+s4+$0x0], $0xffff;
	[tilespmem:s25+$0x30] =	vst v1  }
0x95: {  	v15 =	vadd.f32 $8.388608000e+06, v10;
	v10 =	vld.idx.msk [tilespmem:v12+s4+$0x0], $0xffff;
	v12 =	vadd.f32 $8.388608000e+06, v14;
	[tilespmem:s25+$0xFFFFFFD0] =	vst v2  }
0x96: {  	v4 =	vadd.s32 v4, v0;
	v1 =	vadd.s32 v3, v0;
	v3 =	vadd.s32 v11, v0;
	[tilespmem:s25+$0xFFFFFFC0] =	vst v5  }
0x97: {  	s26 =	simm.s32 $0x80;
	s28 =	sadd.s32 $0x400, s28;
	v2 =	vadd.s32 v13, v0;
	v11 =	vld.idx.msk [tilespmem:v19+s4+$0x0], $0xffff;
	v5 =	vadd.s32 v15, v0;
	[tilespmem:s25+$0xFFFFFFE0] =	vst v18  }
.LBB2_12:
0x98: {  	v13 =	vld [tilespmem:s28+$0x30];
	s26 =	sadd.s32 $0x80, s26;
	v12 =	vadd.s32 v12, v0;
	[tilespmem:s25+$0xFFFFFFF0] =	vst v6  }
0x99: {  	v6 =	vld [tilespmem:s28+$0xFFFFFFD0];
	p0 =	slt.u32 s26, $0x180;
	[tilespmem:s25+$0x0] =	vst v7  }
0x9a: {  	v7 =	vld [tilespmem:s28+$0xFFFFFFE0];
	[tilespmem:s25+$0x10] =	vst v8  }
0x9b: {  	v8 =	vld [tilespmem:s28+$0xFFFFFFF0];
	[tilespmem:s25+$0x20] =	vst v9;
	s25 =	sadd.s32 $0x400, s25  }
0x9c: {  	v9 =	vld [tilespmem:s28+$0x0];
	[tilespmem:s25+$0x30] =	vst v10  }
0x9d: {  	v10 =	vld [tilespmem:s28+$0x10];
	v13 =	vmul.f32 $2.550000000e+02, v13;
	[tilespmem:s25+$0xFFFFFFD0] =	vst v11  }
0x9e: {  	v6 =	vmul.f32 $2.550000000e+02, v6;
	v11 =	vld [tilespmem:s28+$0x20]  }
0x9f: {  	v14 =	vld [tilespmem:s28+$0xFFFFFFC0];
	v7 =	vmul.f32 $2.550000000e+02, v7;
	v13 =	vadd.f32 $8.388608000e+06, v13  }
0xa0: {  	v6 =	vadd.f32 $8.388608000e+06, v6;
	v8 =	vmul.f32 $2.550000000e+02, v8;
	v15 =	vld.idx.msk [tilespmem:v12+s4+$0x0], $0xffff  }
0xa1: {  	v7 =	vadd.f32 $8.388608000e+06, v7;
	v9 =	vmul.f32 $2.550000000e+02, v9;
	v13 =	vadd.s32 v13, v0;
	v16 =	vld.idx.msk [tilespmem:v1+s4+$0x0], $0xffff  }
0xa2: {  	v17 =	vadd.s32 v6, v0;
	v8 =	vadd.f32 $8.388608000e+06, v8;
	v10 =	vmul.f32 $2.550000000e+02, v10;
	v6 =	vld.idx.msk [tilespmem:v3+s4+$0x0], $0xffff  }
.Ltmp5:
0xa3: {  	v1 =	vadd.s32 v7, v0;
	v9 =	vadd.f32 $8.388608000e+06, v9;
	v11 =	vmul.f32 $2.550000000e+02, v11;
	v7 =	vld.idx.msk [tilespmem:v2+s4+$0x0], $0xffff;
	(pc) =	sbr.rel @p0 .LBB2_12-.Ltmp5, $4  }
0xa4: {  	v12 =	vmul.f32 $2.550000000e+02, v14;
	v3 =	vadd.s32 v8, v0;
	v10 =	vadd.f32 $8.388608000e+06, v10;
	v8 =	vld.idx.msk [tilespmem:v4+s4+$0x0], $0xffff  }
0xa5: {  	v2 =	vadd.s32 v9, v0;
	v14 =	vadd.f32 $8.388608000e+06, v11;
	v9 =	vld.idx.msk [tilespmem:v5+s4+$0x0], $0xffff  }
0xa6: {  	v12 =	vadd.f32 $8.388608000e+06, v12;
	v4 =	vadd.s32 v10, v0;
	v10 =	vld.idx.msk [tilespmem:v13+s4+$0x0], $0xffff;
	[tilespmem:s25+$0xFFFFFFC0] =	vst v15  }
0xa7: {  	s28 =	sadd.s32 $0x400, s28;
	v11 =	vld.idx.msk [tilespmem:v17+s4+$0x0], $0xffff;
	v5 =	vadd.s32 v14, v0;
	[tilespmem:s25+$0xFFFFFFE0] =	vst v16  }
0xa8: {  	_ =	sdelay $0x2  }
0xa9: {  	[tilespmem:s25+$0xFFFFFFF0] =	vst v6  }
0xaa: {  	v12 =	vadd.s32 v12, v0;
	[tilespmem:s25+$0x0] =	vst v7;
	v1 =	vld.idx.msk [tilespmem:v1+s4+$0x0], $0xffff  }
0xab: {  	v3 =	vld.idx.msk [tilespmem:v3+s4+$0x0], $0xffff;
	[tilespmem:s25+$0x10] =	vst v8  }
0xac: {  	s31 =	sadd.s32 $0x400, s25;
	v2 =	vld.idx.msk [tilespmem:v2+s4+$0x0], $0xffff;
	[tilespmem:s25+$0x20] =	vst v9  }
0xad: {  	v4 =	vld.idx.msk [tilespmem:v4+s4+$0x0], $0xffff;
	[tilespmem:s31+$0x30] =	vst v10  }
0xae: {  	v5 =	vld.idx.msk [tilespmem:v5+s4+$0x0], $0xffff;
	s24 =	sadd.s32 $0x1, s24;
	[tilespmem:s31+$0xFFFFFFD0] =	vst v11  }
0xaf: {  	p0 =	sne.s32 s24, $0x20;
	v63 =	vld.idx.msk [tilespmem:v12+s4+$0x0], $0xffff;
	[tilespmem:s31+$0xFFFFFFE0] =	vst v1  }
.Ltmp6:
0xb0: {  	[tilespmem:s31+$0xFFFFFFF0] =	vst v3;
	(pc) =	sbr.rel @p0 .LBB2_11-.Ltmp6, $4  }
0xb1: {  	[tilespmem:s31+$0x0] =	vst v2  }
0xb2: {  	[tilespmem:s31+$0x10] =	vst v4  }
0xb3: {  	[tilespmem:s31+$0x20] =	vst v5  }
0xb4: {  	s23 =	sadd.s32 $0x200, s23;
	s22 =	sadd.s32 $0x1, s22;
	[tilespmem:s31+$0xFFFFFFC0] =	vst v63  }
0xb5: {  	s20 =	sadd.s32 $0x1, s20  }
0xb6: {  	p0 =	sne.s32 s20, $0x6  }
.Ltmp7:
0xb7: {  	_ = 	snop;
	(pc) =	sbr.rel @p0 .LBB2_2-.Ltmp7, $3  }
0xb8: {  	_ =	sdelay $0x1  }
0xb9: {  	s21 =	sadd.s32 s3, s21  }
0xba: {  	[hbm4b:s21+s4] =	stream.linear.scatter [tilespmem:s17], [sflag:$0x4], $0x4000, $0x38;
	[tilespmem:$0x11800] =	vst v63  }
0xbb: {  	s19 =	sadd.s32 $0x1, s19  }
0xbc: {  	_ =	swait.ge [sflag:s18], $0x4000;
	p0 =	sne.s32 s19, s9  }
.Ltmp8:
0xbd: {  	[sflag:s18] =	ssyncset.done $0x0;
	(pc) =	sbr.rel @p0 .LBB2_1-.Ltmp8, $4  }
0xbe: {  	[sflag:s18] =	ssyncadd.s32 $0xFFFFC000  }
0xbf: {  	_ =	swait.ge [sflag:s16], $0x4000  }
0xc0: {  	[sflag:s16] =	ssyncset.done $0x0  }
0xc1: {  	[sflag:s16] =	ssyncadd.s32 $0xFFFFC000  }
0xc2: {  	_ =	sfence.sel $0x180000  }
0xc3: {  	[bflag:$0x0] =	sbarrier.arrive $0xFFFF  }
0xc4: {  	p0 =	sne.s32 s0, $0x0;
	_ =	strace $0x90000047  }
0xc5: {  	s0 =	sadd.s32 @!p0 $0x100000, s2;
	[bflag:$0x2] =	sbarrier.arrive $0xFFFF  }
0xc6: {  	[sflag:s0] =	ssyncadd.tile.s32 @!p0 $0x1;
	_ =	shalt  }
.Lfunc_end2:
_tile_overlayer_lowered:
.L_overlay_start_2:
0xc7: {  	(tag) =	ssettag $0x2  }
0xc8: {  	s0 =	rddreg [dreg:$0x0];
	s2 =	stileid.u32  }
0xc9: {  	s1 =	rddreg [dreg:$0x1];
	p0 =	sne.s32 s2, $0x0  }
0xca: {  	s3 =	rddreg [dreg:$0x2];
	[bflag:$0x3] =	sbarrier.arrive $0xFFFF;
	s2 =	simm.s32 @!p0 $0x1C05  }
0xcb: {  	[timem:s3], [sflag:s2] =	dma.local @!p0 [hbm:s0], s1  }
0xcc: {  	s0 =	simm.s32 @!p0 $0x5  }
0xcd: {  	_ =	swait.ge @!p0 [sflag:s0], s1  }
0xce: {  	s1 =	ssub.s32 @!p0 $0x0, s1;
	[sflag:s0] =	ssyncset.done @!p0 $0x0  }
0xcf: {  	[sflag:s0] =	ssyncadd.s32 @!p0 s1  }
0xd0: {  	[bflag:$0x3] =	sbarrier.arrive $0xFFFF  }
0xd1: {  	_ =	shalt  }

</sc_bundles>
